<compile_context>
chip_gen: v7x
topology: tpu7x:2x2x1
jax: 0.10.2.dev20260603
libtpu: 0.0.44.dev20260713+nightly
codegen_flags: <defaults>
</compile_context>

<pallas_src>
import functools

import jax
import jax.numpy as jnp
from jax import lax
from jax.experimental import pallas as pl
from jax.experimental.pallas import tpu as pltpu
from jax.experimental.pallas import tpu_sc as plsc

_NS = 16
_L = 16


def _pg_body(rows_per_w, lp_hbm, packed_i_hbm, packed_f_hbm, out_hbm,
             idx_v, rwd_v, val_v, acc_v, sem_a, sem_r, sem_g):
    wid = lax.axis_index("s")
    blk = 2 * rows_per_w

    cp_a = pltpu.make_async_copy(
        packed_i_hbm.at[pl.ds(wid * blk, rows_per_w)], idx_v, sem_a)
    cp_r = pltpu.make_async_copy(
        packed_f_hbm.at[pl.ds(wid * blk + rows_per_w, rows_per_w)], rwd_v, sem_r)
    cp_a.start()
    cp_r.start()
    cp_a.wait()

    pltpu.async_copy(lp_hbm.at[idx_v], val_v, sem_g).wait()
    cp_r.wait()

    nvec = rows_per_w // _L
    acc = val_v[pl.ds(0, _L)] * rwd_v[pl.ds(0, _L)]
    for j in range(1, nvec):
        acc = acc + val_v[pl.ds(j * _L, _L)] * rwd_v[pl.ds(j * _L, _L)]
    acc_v[...] = acc
    pltpu.sync_copy(acc_v, out_hbm.at[wid])


def kernel(log_pred, target, reward, seq_len):
    n_rows, vocab = log_pred.shape
    rows_per_w = n_rows // _NS

    lp_flat = (log_pred
               .reshape(n_rows // 8, 8, vocab // 128, 128)
               .transpose(0, 2, 1, 3)
               .reshape(-1))

    t = target.reshape(-1).astype(jnp.int32)
    rows = lax.iota(jnp.int32, n_rows)
    ct = vocab // 128
    addr = (((rows >> 3) * ct + (t >> 7)) * 1024
            + ((rows & 7) << 7) + (t & 127))
    scale = -1.0 / (seq_len * target.shape[0]).astype(jnp.float32)
    rwd_bits = lax.bitcast_convert_type(reward.reshape(-1) * scale, jnp.int32)
    packed = jnp.concatenate(
        [addr.reshape(_NS, 1, rows_per_w),
         rwd_bits.reshape(_NS, 1, rows_per_w)], axis=1).reshape(-1)

    mesh = plsc.VectorSubcoreMesh(
        core_axis_name="c", subcore_axis_name="s", num_cores=1)
    body = functools.partial(_pg_body, rows_per_w)
    partials = pl.kernel(
        body,
        out_type=jax.ShapeDtypeStruct((_NS, _L), jnp.float32),
        mesh=mesh,
        scratch_types=[
            pltpu.VMEM((rows_per_w,), jnp.int32),
            pltpu.VMEM((rows_per_w,), jnp.float32),
            pltpu.VMEM((rows_per_w,), jnp.float32),
            pltpu.VMEM((_L,), jnp.float32),
            pltpu.SemaphoreType.DMA,
            pltpu.SemaphoreType.DMA,
            pltpu.SemaphoreType.DMA,
        ],
    )(lp_flat, packed, lax.bitcast_convert_type(packed, jnp.float32))

    return jnp.sum(partials)

# --- scband reference (transcript-rebuilt; emitter-appended) ---
"""Pipeline reference for scband-pgloss-38620345926098 (READ-ONLY COPY).

The authoritative reference and input builder live on the scoring server;
editing this copy changes nothing except your own understanding.
"""

import jax, jax.numpy as jnp
import numpy as np


def setup_inputs(seed: int = 0) -> dict:
    key = jax.random.key(seed)
    k1, k2, k3 = jax.random.split(key, 3)
    batch, seq_len, node_count = 64, 16, 32768
    log_pred = jax.random.normal(k1, (batch * seq_len, node_count), dtype=jnp.float32)
    target = jax.random.randint(k2, (batch, seq_len), 0, node_count, dtype=jnp.int64)
    reward = jax.random.uniform(k3, (batch, seq_len), dtype=jnp.float32)
    return {"log_pred": log_pred, "target": target, "reward": reward, "seq_len": seq_len}


def reference(log_pred, target, reward, seq_len):
    # one_hot scatter + masked_select == gather of the target column per row
    idx = target.reshape(-1, 1)
    target_pred = jnp.take_along_axis(log_pred, idx, axis=1)[:, 0]
    loss = target_pred * reward.reshape(-1)
    loss = -jnp.sum(loss) / (seq_len * target.shape[0])
    return loss

if __name__ == "__main__":
    import jax
    _d = setup_inputs()
    print(jax.jit(kernel)(*tuple(_d.values())))

</pallas_src>

<mosaic_0001>
#map = affine_map<(d0, d1) -> (0)>
#map1 = affine_map<(d0, d1) -> (0, 0)>
module attributes {stable_mosaic.version = 14 : i64} {
  func.func @_pg_body(%arg0: i32, %arg1: i32, %arg2: memref<33554432xf32, #tpu.memory_space<hbm>>, %arg3: memref<2048xi32, #tpu.memory_space<hbm>>, %arg4: memref<2048xf32, #tpu.memory_space<hbm>>, %arg5: memref<16x16xf32, #tpu.memory_space<hbm>>, %arg6: memref<64xi32, #tpu.memory_space<vmem>>, %arg7: memref<64xf32, #tpu.memory_space<vmem>>, %arg8: memref<64xf32, #tpu.memory_space<vmem>>, %arg9: memref<16xf32, #tpu.memory_space<vmem>>, %arg10: memref<!tpu.dma_semaphore, #tpu.memory_space<semaphore_mem>>, %arg11: memref<!tpu.dma_semaphore, #tpu.memory_space<semaphore_mem>>, %arg12: memref<!tpu.dma_semaphore, #tpu.memory_space<semaphore_mem>>) attributes {dimension_semantics = [#tpu.dimension_semantics<core_parallel>, #tpu.dimension_semantics<subcore_parallel>], iteration_bounds = array<i64: 1, 16>, scalar_prefetch = 0 : i64, scratch_operands = 7 : i64, tpu.core_type = #tpu.core_type<sc_vector_subcore>, window_params = [{transform_indices = #map}, {transform_indices = #map}, {transform_indices = #map}, {transform_indices = #map1}]} {
    %mul3A = arith.constant 128 : i32
    %mul3A_0 = arith.muli %arg1, %mul3A : i32
    %mul3A_1 = arith.constant 128 : i32
    %mul3A_2 = arith.muli %arg1, %mul3A_1 : i32
    %add3A = arith.constant 64 : i32
    %add3A_3 = arith.addi %mul3A_2, %add3A : i32
    %dma_start3A = tpu.memref_slice %arg3[%mul3A_0] : memref<2048xi32, #tpu.memory_space<hbm>> -> memref<64xi32, #tpu.memory_space<hbm>>
    %dma_start3A_4 = tpu.memref_slice %arg3[%mul3A_0] : memref<2048xi32, #tpu.memory_space<hbm>> -> memref<64xi32, #tpu.memory_space<hbm>>
    tpu.enqueue_dma source(%dma_start3A_4 : memref<64xi32, #tpu.memory_space<hbm>>) target(%arg6 : memref<64xi32, #tpu.memory_space<vmem>>) target_semaphore(%arg10 : memref<!tpu.dma_semaphore, #tpu.memory_space<semaphore_mem>>)
    %dma_start3A_5 = tpu.memref_slice %arg4[%add3A_3] : memref<2048xf32, #tpu.memory_space<hbm>> -> memref<64xf32, #tpu.memory_space<hbm>>
    %dma_start3A_6 = tpu.memref_slice %arg4[%add3A_3] : memref<2048xf32, #tpu.memory_space<hbm>> -> memref<64xf32, #tpu.memory_space<hbm>>
    tpu.enqueue_dma source(%dma_start3A_6 : memref<64xf32, #tpu.memory_space<hbm>>) target(%arg7 : memref<64xf32, #tpu.memory_space<vmem>>) target_semaphore(%arg11 : memref<!tpu.dma_semaphore, #tpu.memory_space<semaphore_mem>>)
    %dma_wait3A = tpu.memref_slice %arg3[%mul3A_0] : memref<2048xi32, #tpu.memory_space<hbm>> -> memref<64xi32, #tpu.memory_space<hbm>>
    %dma_wait3A_7 = tpu.memref_slice %arg3[%mul3A_0] : memref<2048xi32, #tpu.memory_space<hbm>> -> memref<64xi32, #tpu.memory_space<hbm>>
    tpu.wait_dma2 semaphore(%arg10 : memref<!tpu.dma_semaphore, #tpu.memory_space<semaphore_mem>>) src(%dma_wait3A_7 : memref<64xi32, #tpu.memory_space<hbm>>) dst(%arg6 : memref<64xi32, #tpu.memory_space<vmem>>)
    %dma_start3A_8 = arith.constant 0 : i32
    %dma_start3A_9 = tpu.memref_slice %arg2[%dma_start3A_8] : memref<33554432xf32, #tpu.memory_space<hbm>> -> memref<33554432xf32, #tpu.memory_space<hbm>>
    tpu.enqueue_indirect_dma source(%dma_start3A_9 : memref<33554432xf32, #tpu.memory_space<hbm>>) target(%arg8 : memref<64xf32, #tpu.memory_space<vmem>>) offsets(%arg6 : memref<64xi32, #tpu.memory_space<vmem>>) semaphore(%arg12 : memref<!tpu.dma_semaphore, #tpu.memory_space<semaphore_mem>>)
    %dma_wait3A_10 = arith.constant 0 : i32
    %dma_wait3A_11 = tpu.memref_slice %arg2[%dma_wait3A_10] : memref<33554432xf32, #tpu.memory_space<hbm>> -> memref<33554432xf32, #tpu.memory_space<hbm>>
    tpu.wait_indirect_dma semaphore(%arg12 : memref<!tpu.dma_semaphore, #tpu.memory_space<semaphore_mem>>) src(%dma_wait3A_11 : memref<33554432xf32, #tpu.memory_space<hbm>>) dst(%arg8 : memref<64xf32, #tpu.memory_space<vmem>>)
    %dma_wait3A_12 = tpu.memref_slice %arg4[%add3A_3] : memref<2048xf32, #tpu.memory_space<hbm>> -> memref<64xf32, #tpu.memory_space<hbm>>
    %dma_wait3A_13 = tpu.memref_slice %arg4[%add3A_3] : memref<2048xf32, #tpu.memory_space<hbm>> -> memref<64xf32, #tpu.memory_space<hbm>>
    tpu.wait_dma2 semaphore(%arg11 : memref<!tpu.dma_semaphore, #tpu.memory_space<semaphore_mem>>) src(%dma_wait3A_13 : memref<64xf32, #tpu.memory_space<hbm>>) dst(%arg7 : memref<64xf32, #tpu.memory_space<vmem>>)
    %get3A = arith.constant 0 : index
    %get3A_14 = tpu.vector_load %arg8[%get3A] {strides = array<i32>} : memref<64xf32, #tpu.memory_space<vmem>>, vector<16xf32>,
    %get3A_15 = vector.shape_cast %get3A_14 : vector<16xf32> to vector<16xf32>
    %get3A_16 = arith.constant 0 : index
    %get3A_17 = tpu.vector_load %arg7[%get3A_16] {strides = array<i32>} : memref<64xf32, #tpu.memory_space<vmem>>, vector<16xf32>,
    %get3A_18 = vector.shape_cast %get3A_17 : vector<16xf32> to vector<16xf32>
    %mul3A_19 = arith.mulf %get3A_15, %get3A_18 : vector<16xf32>
    %get3A_20 = arith.constant 16 : index
    %get3A_21 = tpu.vector_load %arg8[%get3A_20] {strides = array<i32>} : memref<64xf32, #tpu.memory_space<vmem>>, vector<16xf32>,
    %get3A_22 = vector.shape_cast %get3A_21 : vector<16xf32> to vector<16xf32>
    %get3A_23 = arith.constant 16 : index
    %get3A_24 = tpu.vector_load %arg7[%get3A_23] {strides = array<i32>} : memref<64xf32, #tpu.memory_space<vmem>>, vector<16xf32>,
    %get3A_25 = vector.shape_cast %get3A_24 : vector<16xf32> to vector<16xf32>
    %mul3A_26 = arith.mulf %get3A_22, %get3A_25 : vector<16xf32>
    %add3A_27 = arith.addf %mul3A_19, %mul3A_26 : vector<16xf32>
    %get3A_28 = arith.constant 32 : index
    %get3A_29 = tpu.vector_load %arg8[%get3A_28] {strides = array<i32>} : memref<64xf32, #tpu.memory_space<vmem>>, vector<16xf32>,
    %get3A_30 = vector.shape_cast %get3A_29 : vector<16xf32> to vector<16xf32>
    %get3A_31 = arith.constant 32 : index
    %get3A_32 = tpu.vector_load %arg7[%get3A_31] {strides = array<i32>} : memref<64xf32, #tpu.memory_space<vmem>>, vector<16xf32>,
    %get3A_33 = vector.shape_cast %get3A_32 : vector<16xf32> to vector<16xf32>
    %mul3A_34 = arith.mulf %get3A_30, %get3A_33 : vector<16xf32>
    %add3A_35 = arith.addf %add3A_27, %mul3A_34 : vector<16xf32>
    %get3A_36 = arith.constant 48 : index
    %get3A_37 = tpu.vector_load %arg8[%get3A_36] {strides = array<i32>} : memref<64xf32, #tpu.memory_space<vmem>>, vector<16xf32>,
    %get3A_38 = vector.shape_cast %get3A_37 : vector<16xf32> to vector<16xf32>
    %get3A_39 = arith.constant 48 : index
    %get3A_40 = tpu.vector_load %arg7[%get3A_39] {strides = array<i32>} : memref<64xf32, #tpu.memory_space<vmem>>, vector<16xf32>,
    %get3A_41 = vector.shape_cast %get3A_40 : vector<16xf32> to vector<16xf32>
    %mul3A_42 = arith.mulf %get3A_38, %get3A_41 : vector<16xf32>
    %add3A_43 = arith.addf %add3A_35, %mul3A_42 : vector<16xf32>
    %swap3A = arith.constant 0 : index
    %swap3A_44 = tpu.vector_load %arg9[%swap3A] {strides = array<i32>} : memref<16xf32, #tpu.memory_space<vmem>>, vector<16xf32>,
    %swap3A_45 = vector.shape_cast %swap3A_44 : vector<16xf32> to vector<16xf32>
    %swap3A_46 = vector.shape_cast %add3A_43 : vector<16xf32> to vector<16xf32>
    tpu.vector_store %arg9[%swap3A], %swap3A_46 {strides = array<i32>} : memref<16xf32, #tpu.memory_space<vmem>>, vector<16xf32>,
    "tpu.region"() ({
      %run_scoped3A = tpu.sem_alloc : memref<!tpu.dma_semaphore, #tpu.memory_space<semaphore_mem>>
      %dma_start3A_47 = arith.constant 0 : i32
      %dma_start3A_48 = tpu.memref_slice %arg5[%arg1, %dma_start3A_47] : memref<16x16xf32, #tpu.memory_space<hbm>> -> memref<1x16xf32, #tpu.memory_space<hbm>>
      %dma_start3A_49 = tpu.memref_squeeze %dma_start3A_48 : memref<1x16xf32, #tpu.memory_space<hbm>> -> memref<16xf32, #tpu.memory_space<hbm>>
      %dma_start3A_50 = arith.constant 0 : i32
      %dma_start3A_51 = tpu.memref_slice %arg5[%arg1, %dma_start3A_50] : memref<16x16xf32, #tpu.memory_space<hbm>> -> memref<1x16xf32, #tpu.memory_space<hbm>>
      %dma_start3A_52 = tpu.memref_squeeze %dma_start3A_51 : memref<1x16xf32, #tpu.memory_space<hbm>> -> memref<16xf32, #tpu.memory_space<hbm>>
      tpu.enqueue_dma source(%arg9 : memref<16xf32, #tpu.memory_space<vmem>>) target(%dma_start3A_52 : memref<16xf32, #tpu.memory_space<hbm>>) target_semaphore(%run_scoped3A : memref<!tpu.dma_semaphore, #tpu.memory_space<semaphore_mem>>)
      %dma_wait3A_53 = arith.constant 0 : i32
      %dma_wait3A_54 = tpu.memref_slice %arg5[%arg1, %dma_wait3A_53] : memref<16x16xf32, #tpu.memory_space<hbm>> -> memref<1x16xf32, #tpu.memory_space<hbm>>
      %dma_wait3A_55 = tpu.memref_squeeze %dma_wait3A_54 : memref<1x16xf32, #tpu.memory_space<hbm>> -> memref<16xf32, #tpu.memory_space<hbm>>
      %dma_wait3A_56 = arith.constant 0 : i32
      %dma_wait3A_57 = tpu.memref_slice %arg5[%arg1, %dma_wait3A_56] : memref<16x16xf32, #tpu.memory_space<hbm>> -> memref<1x16xf32, #tpu.memory_space<hbm>>
      %dma_wait3A_58 = tpu.memref_squeeze %dma_wait3A_57 : memref<1x16xf32, #tpu.memory_space<hbm>> -> memref<16xf32, #tpu.memory_space<hbm>>
      tpu.wait_dma2 semaphore(%run_scoped3A : memref<!tpu.dma_semaphore, #tpu.memory_space<semaphore_mem>>) src(%arg9 : memref<16xf32, #tpu.memory_space<vmem>>) dst(%dma_wait3A_58 : memref<16xf32, #tpu.memory_space<hbm>>)
      tpu.yield
    }) : () -> ()
    return
  }
}

</mosaic_0001>

<sc_bundles>
// kernel: kernel.3.cloned.1.call-start
scs
__scs_entry_jumppad:
0x0: {  	(pc) =	sbr.rel $0x88, $3  }
0x1: {  	(tag) =	ssettag $0x0;
	lr =	simm.s32 $0x1  }
0x2: {  	[smem:$0x3F9D] =	sst lr;
	_ =	strace $0xD0000000  }
0x3: {  	_ = 	snop  }
0x4: {  	_ = 	snop  }
0x5: {  	_ = 	snop  }
0x6: {  	_ = 	snop  }
0x7: {  	_ = 	snop  }
__scs_overlays_trampoline_lowered:
0x8: {  	[smem:$0x3FAC] =	sst s0  }
0x9: {  	[smem:$0x3FAD] =	sst s1  }
0xa: {  	[smem:$0x3FAE] =	sst s2  }
0xb: {  	[smem:$0x3FAF] =	sst s3  }
0xc: {  	[smem:$0x3FB0] =	sst s4  }
0xd: {  	[smem:$0x3FB1] =	sst s5  }
0xe: {  	[smem:$0x3FB2] =	sst s6  }
0xf: {  	[smem:$0x3FB3] =	sst s7  }
0x10: {  	[smem:$0x3FB4] =	sst s8  }
0x11: {  	[smem:$0x3FB5] =	sst s9;
	s0 =	simm.s32 @!p0 $0x0  }
0x12: {  	s1 =	sld [smem:$0x3F9B];
	s0 =	simm.s32 @p0 $0x1  }
0x13: {  	[smem:$0x3FB6] =	sst s0;
	s0 =	simm.s32 @!p1 $0x0  }
0x14: {  	s2 =	sld [smem:$0x3F9A];
	s0 =	simm.s32 @p1 $0x1  }
0x15: {  	[smem:$0x3FB7] =	sst s0;
	s0 =	simm.s32 @!p2 $0x0  }
0x16: {  	s3 =	sld [smem:$0x3FDB];
	s0 =	simm.s32 @p2 $0x1  }
0x17: {  	s4 =	simm.s32 $0x1BF5;
	[smem:$0x3FB9] =	sst s0  }
0x18: {  	s0 =	sld [smem:$0x3F9C];
	_ =	swait.ge [sflag:s4], $0x0  }
0x19: {  	s7 =	sld [smem:$0x3F9D]  }
0x1a: {  	s8 =	sadd.s32 $0xFFFFE003, lr  }
0x1b: {  	s9 =	sadd.s32 $0xFFFFFEF7, lr;
	s5 =	simm.s32 $0xFFFFFFFF;
	p2 =	slt.u32 s8, $0xFFFFF086  }
0x1c: {  	p1 =	slt.u32 s9, $0xF7A;
	s5 =	simm.s32 @!p2 $0x0  }
0x1d: {  	s5 =	simm.s32 @p1 $0x1;
	p0 =	seq.s32 s7, s2  }
0x1e: {  	s7 =	smul.u32 @!p0 $0xF7A, s2;
	p2 =	seq.s32 @!p0 s5, $0x0  }
0x1f: {  	s9 =	smul.u32 $0xF7A, s1;
	s8 =	simm.s32 @!p0 $0x1BF5;
	p2 =	por !p2, p0  }
0x20: {  	[sflag:s8] =	ssyncset.s32 @!p0 $0xFFFFF086;
	s6 =	sadd.s32 @!p0 s3, s7;
	s7 =	simm.s32 @!p0 $0x108  }
0x21: {  	s3 =	sadd.s32 s3, s9;
	s6 =	sadd.s32 @!p0 $0x88, s6;
	s7 =	simm.s32 @p2 $0x1082  }
0x22: {  	[simem:s7], [sflag:s8] =	dma.local @!p0 [hbm:s6], $0xF7A  }
0x23: {  	s9 =	sor.u32 $0xD0000000, s2;
	s6 =	simm.s32 $0x108;
	_ =	swait.ge @!p0 [sflag:s8], $0x0  }
0x24: {  	s3 =	sadd.s32 $0x88, s3;
	s6 =	simm.s32 @!p1 $0x1082;
	[sflag:s4] =	ssyncset.s32 $0xFFFFF086  }
0x25: {  	[simem:s6], [sflag:s4] =	dma.local [hbm:s3], $0xF7A  }
0x26: {  	[smem:$0x3F9D] =	sst s1;
	(tag) =	ssettag s2;
	_ =	strace s9  }
0x27: {  	s1 =	sld [smem:$0x3FAD]  }
0x28: {  	s2 =	sld [smem:$0x3FAE]  }
0x29: {  	s4 =	sld [smem:$0x3FB0]  }
0x2a: {  	p0 =	seq.s32 s5, $0x0;
	s5 =	sld [smem:$0x3FB1]  }
0x2b: {  	s6 =	sld [smem:$0x3FB2]  }
0x2c: {  	s7 =	sld [smem:$0x3FB3]  }
0x2d: {  	s3 =	simm.s32 $0x108;
	s8 =	sld [smem:$0x3FB4]  }
0x2e: {  	s3 =	simm.s32 @!p0 $0x1082;
	s9 =	sld [smem:$0x3FB5]  }
0x2f: {  	lr =	sadd.s32 s0, s3;
	s0 =	sld [smem:$0x3FAC]  }
0x30: {  	s3 =	sld [smem:$0x3FAF]  }
0x31: {  	[smem:$0x3FB8] =	sst s10  }
0x32: {  	s10 =	sld [smem:$0x3FB6];
	_ =	sdelay $0x3  }
0x33: {  	p0 =	seq.s32 s10, $0x1;
	s10 =	sld [smem:$0x3FB8];
	_ =	sdelay $0x3  }
0x34: {  	[smem:$0x3FB8] =	sst s10  }
0x35: {  	s10 =	sld [smem:$0x3FB7];
	_ =	sdelay $0x3  }
0x36: {  	p1 =	seq.s32 s10, $0x1;
	s10 =	sld [smem:$0x3FB8];
	_ =	sdelay $0x3  }
0x37: {  	[smem:$0x3FB8] =	sst s10  }
0x38: {  	s10 =	sld [smem:$0x3FB9]  }
0x39: {  	_ = 	snop;
	(pc) =	sbr.ind lr, $3  }
0x3a: {  	_ = 	snop  }
0x3b: {  	_ = 	snop  }
0x3c: {  	p2 =	seq.s32 s10, $0x1;
	s10 =	sld [smem:$0x3FB8]  }
0x3d: {  	_ =	shalt  }
0x3e: {  	_ =	shalt  }
0x3f: {  	_ =	shalt  }
0x40: {  	_ =	shalt  }
0x41: {  	_ =	shalt  }
0x42: {  	_ =	shalt  }
0x43: {  	_ =	shalt  }
0x44: {  	_ =	shalt  }
0x45: {  	_ =	shalt  }
0x46: {  	_ =	shalt  }
0x47: {  	_ =	shalt  }
0x48: {  	_ =	shalt  }
0x49: {  	_ =	shalt  }
0x4a: {  	_ =	shalt  }
0x4b: {  	_ =	shalt  }
0x4c: {  	_ =	shalt  }
0x4d: {  	_ =	shalt  }
0x4e: {  	_ =	shalt  }
0x4f: {  	_ =	shalt  }
0x50: {  	_ =	shalt  }
0x51: {  	_ =	shalt  }
0x52: {  	_ =	shalt  }
0x53: {  	_ =	shalt  }
0x54: {  	_ =	shalt  }
0x55: {  	_ =	shalt  }
0x56: {  	_ =	shalt  }
0x57: {  	_ =	shalt  }
0x58: {  	_ =	shalt  }
0x59: {  	_ =	shalt  }
0x5a: {  	_ =	shalt  }
0x5b: {  	_ =	shalt  }
0x5c: {  	_ =	shalt  }
0x5d: {  	_ =	shalt  }
0x5e: {  	_ =	shalt  }
0x5f: {  	_ =	shalt  }
0x60: {  	_ =	shalt  }
0x61: {  	_ =	shalt  }
0x62: {  	_ =	shalt  }
0x63: {  	_ =	shalt  }
0x64: {  	_ =	shalt  }
0x65: {  	_ =	shalt  }
0x66: {  	_ =	shalt  }
0x67: {  	_ =	shalt  }
0x68: {  	_ =	shalt  }
0x69: {  	_ =	shalt  }
0x6a: {  	_ =	shalt  }
0x6b: {  	_ =	shalt  }
0x6c: {  	_ =	shalt  }
0x6d: {  	_ =	shalt  }
0x6e: {  	_ =	shalt  }
0x6f: {  	_ =	shalt  }
0x70: {  	_ =	shalt  }
0x71: {  	_ =	shalt  }
0x72: {  	_ =	shalt  }
0x73: {  	_ =	shalt  }
0x74: {  	_ =	shalt  }
0x75: {  	_ =	shalt  }
0x76: {  	_ =	shalt  }
0x77: {  	_ =	shalt  }
0x78: {  	_ =	shalt  }
0x79: {  	_ =	shalt  }
0x7a: {  	_ =	shalt  }
0x7b: {  	_ =	shalt  }
0x7c: {  	_ =	shalt  }
0x7d: {  	_ =	shalt  }
0x7e: {  	_ =	shalt  }
0x7f: {  	_ =	shalt  }
0x80: {  	_ =	shalt  }
0x81: {  	_ =	shalt  }
0x82: {  	_ =	shalt  }
0x83: {  	_ =	shalt  }
0x84: {  	_ =	shalt  }
0x85: {  	_ =	shalt  }
0x86: {  	_ =	shalt  }
0x87: {  	_ =	shalt  }
.Lfunc_end0:
.L_simem_size_0:
called_computation_lowered:
.L_overlay_start_0:
0x88: {  	s0 =	sld [smem:$0x3FD9]  }
0x89: {  	s1 =	sld [smem:$0x3FFE];
	_ =	sdelay $0x3  }
0x8a: {  	s0 =	sadd.s32 s1, s0  }
0x8b: {  	[smem:$0x3FC4] =	sst s0  }
0x8c: {  	_ = 	snop  }
0x8d: {  	s0 =	sld [smem:$0x3FC9];
	(tm) =	ssettm $0x1  }
0x8e: {  	s16 =	sld [smem:$0x3FFB];
	_ =	sdelay $0x3  }
0x8f: {  	_ =	strace s16  }
0x90: {  	s1 =	sld [smem:$0x3FFC];
	_ =	sdelay $0x3  }
0x91: {  	_ =	strace s1  }
0x92: {  	s1 =	sld [smem:$0x3FFD];
	_ =	sdelay $0x3  }
0x93: {  	_ =	strace s1  }
0x94: {  	_ =	strace $0x8FFFFFFF  }
0x95: {  	s17 =	sld [smem:$0x3FDB];
	_ =	sdelay $0x1  }
0x96: {  	s2 =	simm.s32 $_scs_section_size  }
0x97: {  	s3 =	simm.s32 $_size__tile_overlayer_lowered;
	s4 =	simm.s32 $_tile_overlayer_lowered  }
0x98: {  	s20 =	simm.s32 $0x1BFF;
	s19 =	sshll.u32 s4, $0x1;
	s1 =	sadd.s32 s2, s17  }
0x99: {  	s5 =	simm.s32 $0x0;
	s18 =	sshll.u32 s3, $0x1;
	s3 =	sadd.s32 s19, s1  }
0x9a: {  	[timem:s5], [sflag:s20] =	dma.local [hbm:s3], s18  }
0x9b: {  	_ =	swait.ge [sflag:s20], s18  }
0x9c: {  	s2 =	ssub.s32 $0x0, s18;
	[sflag:s20] =	ssyncset.done $0x0  }
0x9d: {  	[sflag:s20] =	ssyncadd.s32 s2;
	_ =	sdelay $0x1  }
0x9e: {  	s21 =	simm.s32 $0x1B8B  }
0x9f: {  	_ =	swait.ge [sflag:s21], $0x1  }
0xa0: {  	[sflag:s21] =	ssyncset.done $0x0  }
0xa1: {  	s23 =	simm.s32 $0x1B8E;
	s22 =	sld [smem:$0x3FFE];
	[sflag:s21] =	ssyncadd.s32 $0xFFFFFFFF  }
0xa2: {  	s24 =	simm.s32 $execute0_lowered;
	[smem:$0x3FD2] =	sst s23  }
0xa3: {  	s3 =	sshll.u32 s24, $0x1;
	_ =	strace $0x80000046;
	[dreg:$0x1] =	wrdreg $0xFFFFFFFF  }
0xa4: {  	s25 =	simm.s32 $_size_execute0_lowered;
	s1 =	sadd.s32 s1, s3;
	[dreg:$0x0] =	wrdreg $0x0  }
0xa5: {  	s3 =	sshll.u32 s25, $0x1;
	[dreg:$0x2] =	wrdreg s1  }
0xa6: {  	[dreg:$0x3] =	wrdreg s3  }
0xa7: {  	[dreg:$0x4] =	wrdreg $0xC0  }
0xa8: {  	_ =	task [dreg:s5], $0x5FFFF  }
0xa9: {  	[dreg:$0x1] =	wrdreg $0xFFFFFFFF  }
0xaa: {  	[dreg:$0x0] =	wrdreg $0x60  }
0xab: {  	[dreg:$0x2] =	wrdreg s0  }
0xac: {  	[dreg:$0x3] =	wrdreg s22  }
0xad: {  	[dreg:$0x4] =	wrdreg $0x9  }
0xae: {  	_ =	task.clear_ibuf [dreg:s5], $0x5FFFF;
	_ =	strace $0x90000046  }
0xaf: {  	s26 =	simm.s32 $0x9;
	_ =	strace $0x80000048  }
0xb0: {  	_ =	swait.ge [sflag:s26], $0x1  }
0xb1: {  	[sflag:s26] =	ssyncadd.s32 $0xFFFFFFFF  }
0xb2: {  	_ =	strace $0x90000048  }
0xb3: {  	_ =	sfence  }
0xb4: {  	s28 =	sld [smem:$0x0];
	_ =	sdelay $0x1  }
0xb5: {  	s29 =	srdreg.scid  }
0xb6: {  	s30 =	sshll.u32 s29, $0xD;
	s31 =	sshrl.u32 s29, $0x2  }
0xb7: {  	s2 =	sand.u32 $0x4000, s30;
	s1 =	sand.u32 $0x1, s29;
	s0 =	sadd.s32 s31, s28  }
0xb8: {  	s1 =	sor.u32 s2, s1;
	s0 =	sshll.u32 s0, $0x11  }
0xb9: {  	s0 =	sor.u32 s0, s1  }
0xba: {  	s0 =	sadd.s32 $0x8F2B, s0  }
0xbb: {  	[sflag:s0] =	ssyncadd.remote.s32 $0x1  }
0xbc: {  	_ =	sfence.sel $0xFFFF  }
0xbd: {  	[dreg:$0x0] =	wrdreg $0xFFFFFFFF;
	(pc) =	sbr.abs _section_cstart, $3  }
0xbe: {  	[dreg:$0x1] =	wrdreg $0xFFFFFFFF  }
0xbf: {  	_ =	task.clear_ibuf [dreg:s5], $0x2FFFF;
	_ =	strace $0x9FFFFFFF  }
0xc0: {  	(tm) =	ssettm $0x7FFFFFFF  }
0xc1: {  	_ =	shalt  }
tec
execute0_lowered:
.L_overlay_start_1:
0x0: {  	(tag) =	ssettag $0x1  }
0x1: {  	s0 =	rddreg [dreg:$0x0];
	s2 =	stileid.u32  }
0x2: {  	s1 =	rddreg [dreg:$0x1];
	s4 =	simm.s32 $0x0;
	s5 =	sshll.u32 s2, $0x4  }
0x3: {  	[smem:$0x7FF] =	sst s4;
	s1 =	sadd.s32 s5, s1  }
0x4: {  	s3 =	rddreg [dreg:$0x2];
	_ =	strace $0x80000047;
	s5 =	sadd.s32 $0x400, s1  }
0x5: {  	[tilespmem:s4], [sflag:$0x1] =	stream.linear.gather [hbm4b:s5+s4], $0x40, $0x38;
	[tilespmem:$0x200] =	vst v63  }
0x6: {  	s6 =	simm.s32 $0x80;
	s23 =	simm.s32 $0x1;
	s22 =	sadd.s32 $0x608, s1  }
0x7: {  	[tilespmem:s6], [sflag:$0x2] =	stream.linear.gather [hbm4b:s22+s4], $0x40, $0x38;
	[tilespmem:$0x200] =	vst v63  }
0x8: {  	_ =	swait.ge [sflag:s23], $0x40  }
0x9: {  	s24 =	simm.s32 $0x40;
	[sflag:s23] =	ssyncset.done $0x0  }
0xa: {  	s25 =	simm.s32 $0x100;
	s26 =	simm.s32 $0x3;
	[sflag:s23] =	ssyncadd.s32 $0xFFFFFFC0  }
0xb: {  	[tilespmem:s25], [sflag:$0x3] =	stream.indirect.gather [hbm4b:s0+s24], $0x1, s4, s24, $0xb8;
	[tilespmem:$0x200] =	vst v63  }
0xc: {  	_ =	swait.ge [sflag:s26], $0x40  }
0xd: {  	[sflag:s26] =	ssyncset.done $0x0  }
0xe: {  	s28 =	simm.s32 $0x2;
	[sflag:s26] =	ssyncadd.s32 $0xFFFFFFC0  }
0xf: {  	_ =	swait.ge [sflag:s28], $0x40  }
0x10: {  	[sflag:s28] =	ssyncset.done $0x0  }
0x11: {  	[sflag:s28] =	ssyncadd.s32 $0xFFFFFFC0  }
0x12: {  	v0 =	vld [tilespmem:$0x100]  }
0x13: {  	v1 =	vld [tilespmem:$0x80]  }
0x14: {  	v2 =	vld [tilespmem:$0x110]  }
0x15: {  	v3 =	vld [tilespmem:$0x90]  }
0x16: {  	v4 =	vld [tilespmem:$0x120]  }
0x17: {  	v5 =	vld [tilespmem:$0xA0]  }
0x18: {  	v6 =	vld [tilespmem:$0x130]  }
0x19: {  	v7 =	vld [tilespmem:$0xB0]  }
0x1a: {  	v0 =	vmul.f32 v1, v0;
	v61 =	vmul.f32 v3, v2;
	_ =	sdelay $0x1  }
0x1b: {  	v62 =	vmul.f32 v5, v4;
	v0 =	vadd.f32 v61, v0;
	_ =	sdelay $0x1  }
0x1c: {  	v63 =	vmul.f32 v7, v6;
	v0 =	vadd.f32 v62, v0;
	_ =	sdelay $0x1  }
0x1d: {  	v0 =	vadd.f32 v63, v0;
	_ =	sdelay $0x1  }
0x1e: {  	s30 =	simm.s32 $0x180;
	s31 =	simm.s32 $0x4;
	s29 =	sadd.s32 $0x800, s1;
	[tilespmem:$0x180] =	vst v0  }
0x1f: {  	[hbm4b:s29+s4] =	stream.linear.scatter [tilespmem:s30], [sflag:$0x4], $0x80, $0x38;
	[tilespmem:$0x200] =	vst v63  }
0x20: {  	_ =	swait.ge [sflag:s31], $0x80  }
0x21: {  	[sflag:s31] =	ssyncset.done $0x0  }
0x22: {  	[sflag:s31] =	ssyncadd.s32 $0xFFFFFF80  }
0x23: {  	_ =	sfence.sel $0x180000  }
0x24: {  	[bflag:$0x0] =	sbarrier.arrive $0xFFFF  }
0x25: {  	p0 =	sne.s32 s2, $0x0;
	_ =	strace $0x90000047  }
0x26: {  	s0 =	sadd.s32 @!p0 $0x100000, s3;
	[bflag:$0x2] =	sbarrier.arrive $0xFFFF  }
0x27: {  	[sflag:s0] =	ssyncadd.tile.s32 @!p0 $0x1;
	_ =	shalt  }
.Lfunc_end2:
_tile_overlayer_lowered:
.L_overlay_start_2:
0x28: {  	(tag) =	ssettag $0x2  }
0x29: {  	s0 =	rddreg [dreg:$0x0];
	s2 =	stileid.u32  }
0x2a: {  	s1 =	rddreg [dreg:$0x1];
	p0 =	sne.s32 s2, $0x0  }
0x2b: {  	s3 =	rddreg [dreg:$0x2];
	[bflag:$0x3] =	sbarrier.arrive $0xFFFF;
	s2 =	simm.s32 @!p0 $0x1C04  }
0x2c: {  	[timem:s3], [sflag:s2] =	dma.local @!p0 [hbm:s0], s1  }
0x2d: {  	s0 =	simm.s32 @!p0 $0x4  }
0x2e: {  	_ =	swait.ge @!p0 [sflag:s0], s1  }
0x2f: {  	s1 =	ssub.s32 @!p0 $0x0, s1;
	[sflag:s0] =	ssyncset.done @!p0 $0x0  }
0x30: {  	[sflag:s0] =	ssyncadd.s32 @!p0 s1  }
0x31: {  	[bflag:$0x3] =	sbarrier.arrive $0xFFFF  }
0x32: {  	_ =	shalt  }

</sc_bundles>
